<compile_context>
chip_gen: v7x
topology: tpu7x:2x2x1
jax: 0.10.2.dev20260603
libtpu: 0.0.44.dev20260713+nightly
codegen_flags: <defaults>
</compile_context>

<pallas_src>
import functools

import jax
import jax.numpy as jnp
from jax import lax
from jax.experimental import pallas as pl
from jax.experimental.pallas import tpu as pltpu
from jax.experimental.pallas import tpu_sc as plsc

_info = plsc.get_sparse_core_info()
_NC, _NS = _info.num_cores, _info.num_subcores
_NW = _NC * _NS

_CH = 32
_NBUF = 4
_NTILE = 1


def _make_copy_kernel(S, D, dtype):
    rows_per_w = S // _NW
    nchunk = rows_per_w // _CH
    assert nchunk % _NBUF == 0
    mesh = plsc.VectorSubcoreMesh(core_axis_name="c", subcore_axis_name="s")

    scratch = (
        [pltpu.VMEM((_CH, D), dtype) for _ in range(_NTILE)]
        + [pltpu.VMEM_SHARED((_NS, _CH, D), dtype) for _ in range(_NBUF - _NTILE)]
        + [pltpu.SemaphoreType.DMA for _ in range(2 * _NBUF)]
    )

    @functools.partial(
        pl.kernel,
        mesh=mesh,
        out_type=jax.ShapeDtypeStruct((1, S, D), dtype),
        scratch_types=scratch,
    )
    def copy_k(table_hbm, out_hbm, *rest):
        raw_bufs = rest[:_NBUF]
        in_sems = rest[_NBUF : 2 * _NBUF]
        out_sems = rest[2 * _NBUF :]
        sid = lax.axis_index("s")
        wid = sid * _NC + lax.axis_index("c")
        base = wid * rows_per_w

        def get_buf(b):
            if b < _NTILE:
                return raw_bufs[b]
            return raw_bufs[b].at[sid]

        def start_in(g, b):
            pltpu.async_copy(
                table_hbm.at[pl.ds(base + g * _CH, _CH)], get_buf(b), in_sems[b]
            )

        def wait_in(b):
            pltpu.make_async_copy(
                table_hbm.at[pl.ds(0, _CH)], get_buf(b), in_sems[b]
            ).wait()

        def start_out(g, b):
            pltpu.async_copy(
                get_buf(b), out_hbm.at[0, pl.ds(base + g * _CH, _CH)], out_sems[b]
            )

        def wait_out(b):
            pltpu.make_async_copy(
                get_buf(b), out_hbm.at[0, pl.ds(0, _CH)], out_sems[b]
            ).wait()

        for b in range(_NBUF):
            start_in(b, b)

        @pl.loop(0, nchunk, step=_NBUF)
        def _(g0):
            for b in range(_NBUF):
                wait_in(b)
                start_out(g0 + b, b)
            for b in range(_NBUF):
                wait_out(b)

                @pl.when(g0 + b + _NBUF < nchunk)
                def _():
                    start_in(g0 + b + _NBUF, b)

    return copy_k


def kernel(x, table):
    S = x.shape[1]
    D = table.shape[1]
    return _make_copy_kernel(S, D, table.dtype)(table)

# --- scband reference (transcript-rebuilt; emitter-appended) ---
"""Pipeline reference for scband-positional-embeddings-22771916603450 (READ-ONLY COPY).

The authoritative reference and input builder live on the scoring server;
editing this copy changes nothing except your own understanding.
"""

import jax, jax.numpy as jnp
import numpy as np


def setup_inputs(seed: int = 0) -> dict:
    key = jax.random.key(seed)
    k_x, k_tbl = jax.random.split(key)
    x = jax.random.normal(k_x, (4, 8192, 1024), dtype=jnp.float32)
    # nn.Embedding(sequence_length=8192, dim_embeddings=1024) weight
    table = jax.random.normal(k_tbl, (8192, 1024), dtype=jnp.float32)
    return {"x": x, "table": table}


def reference(x, table):
    # positions = torch.arange(x.shape[1]).unsqueeze(0)
    positions = jnp.arange(x.shape[1])[None, :]  # [1, S]
    # embedding lookup -> gather rows of table
    out = jnp.take(table, positions, axis=0)  # [1, S, D]
    return out

if __name__ == "__main__":
    import jax
    _d = setup_inputs()
    print(jax.jit(kernel)(*tuple(_d.values())))

</pallas_src>

<mosaic_0001>
#map = affine_map<(d0, d1) -> (0, 0)>
#map1 = affine_map<(d0, d1) -> (0, 0, 0)>
module attributes {stable_mosaic.version = 14 : i64} {
  func.func @copy_k(%arg0: i32, %arg1: i32, %arg2: memref<8192x1024xf32, #tpu.memory_space<hbm>>, %arg3: memref<1x8192x1024xf32, #tpu.memory_space<hbm>>, %arg4: memref<32x1024xf32, #tpu.memory_space<vmem>>, %arg5: memref<16x32x1024xf32, #tpu.memory_space<vmem_shared>>, %arg6: memref<16x32x1024xf32, #tpu.memory_space<vmem_shared>>, %arg7: memref<16x32x1024xf32, #tpu.memory_space<vmem_shared>>, %arg8: memref<!tpu.dma_semaphore, #tpu.memory_space<semaphore_mem>>, %arg9: memref<!tpu.dma_semaphore, #tpu.memory_space<semaphore_mem>>, %arg10: memref<!tpu.dma_semaphore, #tpu.memory_space<semaphore_mem>>, %arg11: memref<!tpu.dma_semaphore, #tpu.memory_space<semaphore_mem>>, %arg12: memref<!tpu.dma_semaphore, #tpu.memory_space<semaphore_mem>>, %arg13: memref<!tpu.dma_semaphore, #tpu.memory_space<semaphore_mem>>, %arg14: memref<!tpu.dma_semaphore, #tpu.memory_space<semaphore_mem>>, %arg15: memref<!tpu.dma_semaphore, #tpu.memory_space<semaphore_mem>>) attributes {dimension_semantics = [#tpu.dimension_semantics<core_parallel>, #tpu.dimension_semantics<subcore_parallel>], iteration_bounds = array<i64: 2, 16>, scalar_prefetch = 0 : i64, scratch_operands = 12 : i64, tpu.core_type = #tpu.core_type<sc_vector_subcore>, window_params = [{transform_indices = #map}, {transform_indices = #map1}]} {
    %mul3A = arith.constant 2 : i32
    %mul3A_0 = arith.muli %arg1, %mul3A : i32
    %add3A = arith.addi %mul3A_0, %arg0 : i32
    %mul3A_1 = arith.constant 256 : i32
    %mul3A_2 = arith.muli %add3A, %mul3A_1 : i32
    %add3A_3 = arith.constant 0 : i32
    %add3A_4 = arith.addi %mul3A_2, %add3A_3 : i32
    %dma_start3A = arith.constant 0 : i32
    %dma_start3A_5 = tpu.memref_slice %arg2[%add3A_4, %dma_start3A] : memref<8192x1024xf32, #tpu.memory_space<hbm>> -> memref<32x1024xf32, #tpu.memory_space<hbm>>
    %dma_start3A_6 = arith.constant 0 : i32
    %dma_start3A_7 = tpu.memref_slice %arg2[%add3A_4, %dma_start3A_6] : memref<8192x1024xf32, #tpu.memory_space<hbm>> -> memref<32x1024xf32, #tpu.memory_space<hbm>>
    tpu.enqueue_dma source(%dma_start3A_7 : memref<32x1024xf32, #tpu.memory_space<hbm>>) target(%arg4 : memref<32x1024xf32, #tpu.memory_space<vmem>>) target_semaphore(%arg8 : memref<!tpu.dma_semaphore, #tpu.memory_space<semaphore_mem>>)
    %add3A_8 = arith.constant 32 : i32
    %add3A_9 = arith.addi %mul3A_2, %add3A_8 : i32
    %dma_start3A_10 = arith.constant 0 : i32
    %dma_start3A_11 = arith.constant 0 : i32
    %dma_start3A_12 = tpu.memref_slice %arg5[%arg1, %dma_start3A_10, %dma_start3A_11] : memref<16x32x1024xf32, #tpu.memory_space<vmem_shared>> -> memref<1x32x1024xf32, #tpu.memory_space<vmem_shared>>
    %dma_start3A_13 = tpu.memref_squeeze %dma_start3A_12 : memref<1x32x1024xf32, #tpu.memory_space<vmem_shared>> -> memref<32x1024xf32, #tpu.memory_space<vmem_shared>>
    %dma_start3A_14 = arith.constant 0 : i32
    %dma_start3A_15 = tpu.memref_slice %arg2[%add3A_9, %dma_start3A_14] : memref<8192x1024xf32, #tpu.memory_space<hbm>> -> memref<32x1024xf32, #tpu.memory_space<hbm>>
    tpu.enqueue_dma source(%dma_start3A_15 : memref<32x1024xf32, #tpu.memory_space<hbm>>) target(%dma_start3A_13 : memref<32x1024xf32, #tpu.memory_space<vmem_shared>>) target_semaphore(%arg9 : memref<!tpu.dma_semaphore, #tpu.memory_space<semaphore_mem>>)
    %add3A_16 = arith.constant 64 : i32
    %add3A_17 = arith.addi %mul3A_2, %add3A_16 : i32
    %dma_start3A_18 = arith.constant 0 : i32
    %dma_start3A_19 = arith.constant 0 : i32
    %dma_start3A_20 = tpu.memref_slice %arg6[%arg1, %dma_start3A_18, %dma_start3A_19] : memref<16x32x1024xf32, #tpu.memory_space<vmem_shared>> -> memref<1x32x1024xf32, #tpu.memory_space<vmem_shared>>
    %dma_start3A_21 = tpu.memref_squeeze %dma_start3A_20 : memref<1x32x1024xf32, #tpu.memory_space<vmem_shared>> -> memref<32x1024xf32, #tpu.memory_space<vmem_shared>>
    %dma_start3A_22 = arith.constant 0 : i32
    %dma_start3A_23 = tpu.memref_slice %arg2[%add3A_17, %dma_start3A_22] : memref<8192x1024xf32, #tpu.memory_space<hbm>> -> memref<32x1024xf32, #tpu.memory_space<hbm>>
    tpu.enqueue_dma source(%dma_start3A_23 : memref<32x1024xf32, #tpu.memory_space<hbm>>) target(%dma_start3A_21 : memref<32x1024xf32, #tpu.memory_space<vmem_shared>>) target_semaphore(%arg10 : memref<!tpu.dma_semaphore, #tpu.memory_space<semaphore_mem>>)
    %add3A_24 = arith.constant 96 : i32
    %add3A_25 = arith.addi %mul3A_2, %add3A_24 : i32
    %dma_start3A_26 = arith.constant 0 : i32
    %dma_start3A_27 = arith.constant 0 : i32
    %dma_start3A_28 = tpu.memref_slice %arg7[%arg1, %dma_start3A_26, %dma_start3A_27] : memref<16x32x1024xf32, #tpu.memory_space<vmem_shared>> -> memref<1x32x1024xf32, #tpu.memory_space<vmem_shared>>
    %dma_start3A_29 = tpu.memref_squeeze %dma_start3A_28 : memref<1x32x1024xf32, #tpu.memory_space<vmem_shared>> -> memref<32x1024xf32, #tpu.memory_space<vmem_shared>>
    %dma_start3A_30 = arith.constant 0 : i32
    %dma_start3A_31 = tpu.memref_slice %arg2[%add3A_25, %dma_start3A_30] : memref<8192x1024xf32, #tpu.memory_space<hbm>> -> memref<32x1024xf32, #tpu.memory_space<hbm>>
    tpu.enqueue_dma source(%dma_start3A_31 : memref<32x1024xf32, #tpu.memory_space<hbm>>) target(%dma_start3A_29 : memref<32x1024xf32, #tpu.memory_space<vmem_shared>>) target_semaphore(%arg11 : memref<!tpu.dma_semaphore, #tpu.memory_space<semaphore_mem>>)
    %scan3A = arith.constant 0 : i32
    %scan3A_32 = arith.constant 2 : i32
    %scan3A_33 = arith.addi %scan3A, %scan3A_32 : i32
    %scan3A_34 = arith.constant 1 : i32
    scf.for %scan3A_36 = %scan3A to %scan3A_33 step %scan3A_34  : i32 {
      %mul3A_37 = arith.constant 4 : i32
      %mul3A_38 = arith.muli %scan3A_36, %mul3A_37 : i32
      %add3A_39 = arith.constant 0 : i32
      %add3A_40 = arith.addi %add3A_39, %mul3A_38 : i32
      %dma_wait3A = arith.constant 0 : i32
      %dma_wait3A_41 = arith.constant 0 : i32
      %dma_wait3A_42 = tpu.memref_slice %arg2[%dma_wait3A, %dma_wait3A_41] : memref<8192x1024xf32, #tpu.memory_space<hbm>> -> memref<32x1024xf32, #tpu.memory_space<hbm>>
      %dma_wait3A_43 = arith.constant 0 : i32
      %dma_wait3A_44 = arith.constant 0 : i32
      %dma_wait3A_45 = tpu.memref_slice %arg2[%dma_wait3A_43, %dma_wait3A_44] : memref<8192x1024xf32, #tpu.memory_space<hbm>> -> memref<32x1024xf32, #tpu.memory_space<hbm>>
      tpu.wait_dma2 semaphore(%arg8 : memref<!tpu.dma_semaphore, #tpu.memory_space<semaphore_mem>>) src(%dma_wait3A_45 : memref<32x1024xf32, #tpu.memory_space<hbm>>) dst(%arg4 : memref<32x1024xf32, #tpu.memory_space<vmem>>)
      %add3A_46 = arith.constant 0 : i32
      %add3A_47 = arith.addi %add3A_40, %add3A_46 : i32
      %mul3A_48 = arith.constant 32 : i32
      %mul3A_49 = arith.muli %add3A_47, %mul3A_48 : i32
      %add3A_50 = arith.addi %mul3A_2, %mul3A_49 : i32
      %dma_start3A_51 = arith.constant 0 : i32
      %dma_start3A_52 = arith.constant 0 : i32
      %dma_start3A_53 = tpu.memref_slice %arg3[%dma_start3A_51, %add3A_50, %dma_start3A_52] : memref<1x8192x1024xf32, #tpu.memory_space<hbm>> -> memref<1x32x1024xf32, #tpu.memory_space<hbm>>
      %dma_start3A_54 = tpu.memref_squeeze %dma_start3A_53 : memref<1x32x1024xf32, #tpu.memory_space<hbm>> -> memref<32x1024xf32, #tpu.memory_space<hbm>>
      %dma_start3A_55 = arith.constant 0 : i32
      %dma_start3A_56 = tpu.memref_slice %arg3[%dma_start3A_51, %add3A_50, %dma_start3A_55] : memref<1x8192x1024xf32, #tpu.memory_space<hbm>> -> memref<1x32x1024xf32, #tpu.memory_space<hbm>>
      %dma_start3A_57 = tpu.memref_squeeze %dma_start3A_56 : memref<1x32x1024xf32, #tpu.memory_space<hbm>> -> memref<32x1024xf32, #tpu.memory_space<hbm>>
      tpu.enqueue_dma source(%arg4 : memref<32x1024xf32, #tpu.memory_space<vmem>>) target(%dma_start3A_57 : memref<32x1024xf32, #tpu.memory_space<hbm>>) target_semaphore(%arg12 : memref<!tpu.dma_semaphore, #tpu.memory_space<semaphore_mem>>)
      %dma_wait3A_58 = arith.constant 0 : i32
      %dma_wait3A_59 = arith.constant 0 : i32
      %dma_wait3A_60 = tpu.memref_slice %arg5[%arg1, %dma_wait3A_58, %dma_wait3A_59] : memref<16x32x1024xf32, #tpu.memory_space<vmem_shared>> -> memref<1x32x1024xf32, #tpu.memory_space<vmem_shared>>
      %dma_wait3A_61 = tpu.memref_squeeze %dma_wait3A_60 : memref<1x32x1024xf32, #tpu.memory_space<vmem_shared>> -> memref<32x1024xf32, #tpu.memory_space<vmem_shared>>
      %dma_wait3A_62 = arith.constant 0 : i32
      %dma_wait3A_63 = arith.constant 0 : i32
      %dma_wait3A_64 = tpu.memref_slice %arg2[%dma_wait3A_62, %dma_wait3A_63] : memref<8192x1024xf32, #tpu.memory_space<hbm>> -> memref<32x1024xf32, #tpu.memory_space<hbm>>
      tpu.wait_dma2 semaphore(%arg9 : memref<!tpu.dma_semaphore, #tpu.memory_space<semaphore_mem>>) src(%dma_wait3A_64 : memref<32x1024xf32, #tpu.memory_space<hbm>>) dst(%dma_wait3A_61 : memref<32x1024xf32, #tpu.memory_space<vmem_shared>>)
      %add3A_65 = arith.constant 1 : i32
      %add3A_66 = arith.addi %add3A_40, %add3A_65 : i32
      %mul3A_67 = arith.constant 32 : i32
      %mul3A_68 = arith.muli %add3A_66, %mul3A_67 : i32
      %add3A_69 = arith.addi %mul3A_2, %mul3A_68 : i32
      %dma_start3A_70 = arith.constant 0 : i32
      %dma_start3A_71 = arith.constant 0 : i32
      %dma_start3A_72 = tpu.memref_slice %arg3[%dma_start3A_70, %add3A_69, %dma_start3A_71] : memref<1x8192x1024xf32, #tpu.memory_space<hbm>> -> memref<1x32x1024xf32, #tpu.memory_space<hbm>>
      %dma_start3A_73 = tpu.memref_squeeze %dma_start3A_72 : memref<1x32x1024xf32, #tpu.memory_space<hbm>> -> memref<32x1024xf32, #tpu.memory_space<hbm>>
      %dma_start3A_74 = arith.constant 0 : i32
      %dma_start3A_75 = arith.constant 0 : i32
      %dma_start3A_76 = tpu.memref_slice %arg5[%arg1, %dma_start3A_74, %dma_start3A_75] : memref<16x32x1024xf32, #tpu.memory_space<vmem_shared>> -> memref<1x32x1024xf32, #tpu.memory_space<vmem_shared>>
      %dma_start3A_77 = tpu.memref_squeeze %dma_start3A_76 : memref<1x32x1024xf32, #tpu.memory_space<vmem_shared>> -> memref<32x1024xf32, #tpu.memory_space<vmem_shared>>
      tpu.enqueue_dma source(%dma_start3A_77 : memref<32x1024xf32, #tpu.memory_space<vmem_shared>>) target(%dma_start3A_73 : memref<32x1024xf32, #tpu.memory_space<hbm>>) target_semaphore(%arg13 : memref<!tpu.dma_semaphore, #tpu.memory_space<semaphore_mem>>)
      %dma_wait3A_78 = arith.constant 0 : i32
      %dma_wait3A_79 = arith.constant 0 : i32
      %dma_wait3A_80 = tpu.memref_slice %arg6[%arg1, %dma_wait3A_78, %dma_wait3A_79] : memref<16x32x1024xf32, #tpu.memory_space<vmem_shared>> -> memref<1x32x1024xf32, #tpu.memory_space<vmem_shared>>
      %dma_wait3A_81 = tpu.memref_squeeze %dma_wait3A_80 : memref<1x32x1024xf32, #tpu.memory_space<vmem_shared>> -> memref<32x1024xf32, #tpu.memory_space<vmem_shared>>
      %dma_wait3A_82 = arith.constant 0 : i32
      %dma_wait3A_83 = arith.constant 0 : i32
      %dma_wait3A_84 = tpu.memref_slice %arg2[%dma_wait3A_82, %dma_wait3A_83] : memref<8192x1024xf32, #tpu.memory_space<hbm>> -> memref<32x1024xf32, #tpu.memory_space<hbm>>
      tpu.wait_dma2 semaphore(%arg10 : memref<!tpu.dma_semaphore, #tpu.memory_space<semaphore_mem>>) src(%dma_wait3A_84 : memref<32x1024xf32, #tpu.memory_space<hbm>>) dst(%dma_wait3A_81 : memref<32x1024xf32, #tpu.memory_space<vmem_shared>>)
      %add3A_85 = arith.constant 2 : i32
      %add3A_86 = arith.addi %add3A_40, %add3A_85 : i32
      %mul3A_87 = arith.constant 32 : i32
      %mul3A_88 = arith.muli %add3A_86, %mul3A_87 : i32
      %add3A_89 = arith.addi %mul3A_2, %mul3A_88 : i32
      %dma_start3A_90 = arith.constant 0 : i32
      %dma_start3A_91 = arith.constant 0 : i32
      %dma_start3A_92 = tpu.memref_slice %arg3[%dma_start3A_90, %add3A_89, %dma_start3A_91] : memref<1x8192x1024xf32, #tpu.memory_space<hbm>> -> memref<1x32x1024xf32, #tpu.memory_space<hbm>>
      %dma_start3A_93 = tpu.memref_squeeze %dma_start3A_92 : memref<1x32x1024xf32, #tpu.memory_space<hbm>> -> memref<32x1024xf32, #tpu.memory_space<hbm>>
      %dma_start3A_94 = arith.constant 0 : i32
      %dma_start3A_95 = arith.constant 0 : i32
      %dma_start3A_96 = tpu.memref_slice %arg6[%arg1, %dma_start3A_94, %dma_start3A_95] : memref<16x32x1024xf32, #tpu.memory_space<vmem_shared>> -> memref<1x32x1024xf32, #tpu.memory_space<vmem_shared>>
      %dma_start3A_97 = tpu.memref_squeeze %dma_start3A_96 : memref<1x32x1024xf32, #tpu.memory_space<vmem_shared>> -> memref<32x1024xf32, #tpu.memory_space<vmem_shared>>
      tpu.enqueue_dma source(%dma_start3A_97 : memref<32x1024xf32, #tpu.memory_space<vmem_shared>>) target(%dma_start3A_93 : memref<32x1024xf32, #tpu.memory_space<hbm>>) target_semaphore(%arg14 : memref<!tpu.dma_semaphore, #tpu.memory_space<semaphore_mem>>)
      %dma_wait3A_98 = arith.constant 0 : i32
      %dma_wait3A_99 = arith.constant 0 : i32
      %dma_wait3A_100 = tpu.memref_slice %arg7[%arg1, %dma_wait3A_98, %dma_wait3A_99] : memref<16x32x1024xf32, #tpu.memory_space<vmem_shared>> -> memref<1x32x1024xf32, #tpu.memory_space<vmem_shared>>
      %dma_wait3A_101 = tpu.memref_squeeze %dma_wait3A_100 : memref<1x32x1024xf32, #tpu.memory_space<vmem_shared>> -> memref<32x1024xf32, #tpu.memory_space<vmem_shared>>
      %dma_wait3A_102 = arith.constant 0 : i32
      %dma_wait3A_103 = arith.constant 0 : i32
      %dma_wait3A_104 = tpu.memref_slice %arg2[%dma_wait3A_102, %dma_wait3A_103] : memref<8192x1024xf32, #tpu.memory_space<hbm>> -> memref<32x1024xf32, #tpu.memory_space<hbm>>
      tpu.wait_dma2 semaphore(%arg11 : memref<!tpu.dma_semaphore, #tpu.memory_space<semaphore_mem>>) src(%dma_wait3A_104 : memref<32x1024xf32, #tpu.memory_space<hbm>>) dst(%dma_wait3A_101 : memref<32x1024xf32, #tpu.memory_space<vmem_shared>>)
      %add3A_105 = arith.constant 3 : i32
      %add3A_106 = arith.addi %add3A_40, %add3A_105 : i32
      %mul3A_107 = arith.constant 32 : i32
      %mul3A_108 = arith.muli %add3A_106, %mul3A_107 : i32
      %add3A_109 = arith.addi %mul3A_2, %mul3A_108 : i32
      %dma_start3A_110 = arith.constant 0 : i32
      %dma_start3A_111 = arith.constant 0 : i32
      %dma_start3A_112 = tpu.memref_slice %arg3[%dma_start3A_110, %add3A_109, %dma_start3A_111] : memref<1x8192x1024xf32, #tpu.memory_space<hbm>> -> memref<1x32x1024xf32, #tpu.memory_space<hbm>>
      %dma_start3A_113 = tpu.memref_squeeze %dma_start3A_112 : memref<1x32x1024xf32, #tpu.memory_space<hbm>> -> memref<32x1024xf32, #tpu.memory_space<hbm>>
      %dma_start3A_114 = arith.constant 0 : i32
      %dma_start3A_115 = arith.constant 0 : i32
      %dma_start3A_116 = tpu.memref_slice %arg7[%arg1, %dma_start3A_114, %dma_start3A_115] : memref<16x32x1024xf32, #tpu.memory_space<vmem_shared>> -> memref<1x32x1024xf32, #tpu.memory_space<vmem_shared>>
      %dma_start3A_117 = tpu.memref_squeeze %dma_start3A_116 : memref<1x32x1024xf32, #tpu.memory_space<vmem_shared>> -> memref<32x1024xf32, #tpu.memory_space<vmem_shared>>
      tpu.enqueue_dma source(%dma_start3A_117 : memref<32x1024xf32, #tpu.memory_space<vmem_shared>>) target(%dma_start3A_113 : memref<32x1024xf32, #tpu.memory_space<hbm>>) target_semaphore(%arg15 : memref<!tpu.dma_semaphore, #tpu.memory_space<semaphore_mem>>)
      %dma_wait3A_118 = arith.constant 0 : i32
      %dma_wait3A_119 = arith.constant 0 : i32
      %dma_wait3A_120 = arith.constant 0 : i32
      %dma_wait3A_121 = tpu.memref_slice %arg3[%dma_wait3A_118, %dma_wait3A_119, %dma_wait3A_120] : memref<1x8192x1024xf32, #tpu.memory_space<hbm>> -> memref<1x32x1024xf32, #tpu.memory_space<hbm>>
      %dma_wait3A_122 = tpu.memref_squeeze %dma_wait3A_121 : memref<1x32x1024xf32, #tpu.memory_space<hbm>> -> memref<32x1024xf32, #tpu.memory_space<hbm>>
      %dma_wait3A_123 = arith.constant 0 : i32
      %dma_wait3A_124 = arith.constant 0 : i32
      %dma_wait3A_125 = tpu.memref_slice %arg3[%dma_wait3A_118, %dma_wait3A_123, %dma_wait3A_124] : memref<1x8192x1024xf32, #tpu.memory_space<hbm>> -> memref<1x32x1024xf32, #tpu.memory_space<hbm>>
      %dma_wait3A_126 = tpu.memref_squeeze %dma_wait3A_125 : memref<1x32x1024xf32, #tpu.memory_space<hbm>> -> memref<32x1024xf32, #tpu.memory_space<hbm>>
      tpu.wait_dma2 semaphore(%arg12 : memref<!tpu.dma_semaphore, #tpu.memory_space<semaphore_mem>>) src(%arg4 : memref<32x1024xf32, #tpu.memory_space<vmem>>) dst(%dma_wait3A_126 : memref<32x1024xf32, #tpu.memory_space<hbm>>)
      %add3A_127 = arith.constant 0 : i32
      %add3A_128 = arith.addi %add3A_40, %add3A_127 : i32
      %add3A_129 = arith.constant 4 : i32
      %add3A_130 = arith.addi %add3A_128, %add3A_129 : i32
      %lt3A = arith.constant 8 : i32
      %lt3A_131 = arith.cmpi slt, %add3A_130, %lt3A : i32
      %convert_element_type3A = arith.extui %lt3A_131 : i1 to i32
      %cond3A = arith.constant 0 : i32
      %cond3A_132 = arith.cmpi ne, %convert_element_type3A, %cond3A : i32
      scf.if %cond3A_132 {
        %add3A_187 = arith.constant 0 : i32
        %add3A_188 = arith.addi %add3A_40, %add3A_187 : i32
        %add3A_189 = arith.constant 4 : i32
        %add3A_190 = arith.addi %add3A_188, %add3A_189 : i32
        %mul3A_191 = arith.constant 32 : i32
        %mul3A_192 = arith.muli %add3A_190, %mul3A_191 : i32
        %add3A_193 = arith.addi %mul3A_2, %mul3A_192 : i32
        %dma_start3A_194 = arith.constant 0 : i32
        %dma_start3A_195 = tpu.memref_slice %arg2[%add3A_193, %dma_start3A_194] : memref<8192x1024xf32, #tpu.memory_space<hbm>> -> memref<32x1024xf32, #tpu.memory_space<hbm>>
        %dma_start3A_196 = arith.constant 0 : i32
        %dma_start3A_197 = tpu.memref_slice %arg2[%add3A_193, %dma_start3A_196] : memref<8192x1024xf32, #tpu.memory_space<hbm>> -> memref<32x1024xf32, #tpu.memory_space<hbm>>
        tpu.enqueue_dma source(%dma_start3A_197 : memref<32x1024xf32, #tpu.memory_space<hbm>>) target(%arg4 : memref<32x1024xf32, #tpu.memory_space<vmem>>) target_semaphore(%arg8 : memref<!tpu.dma_semaphore, #tpu.memory_space<semaphore_mem>>)
      } else {
      }
      %dma_wait3A_133 = arith.constant 0 : i32
      %dma_wait3A_134 = arith.constant 0 : i32
      %dma_wait3A_135 = arith.constant 0 : i32
      %dma_wait3A_136 = tpu.memref_slice %arg3[%dma_wait3A_133, %dma_wait3A_134, %dma_wait3A_135] : memref<1x8192x1024xf32, #tpu.memory_space<hbm>> -> memref<1x32x1024xf32, #tpu.memory_space<hbm>>
      %dma_wait3A_137 = tpu.memref_squeeze %dma_wait3A_136 : memref<1x32x1024xf32, #tpu.memory_space<hbm>> -> memref<32x1024xf32, #tpu.memory_space<hbm>>
      %dma_wait3A_138 = arith.constant 0 : i32
      %dma_wait3A_139 = arith.constant 0 : i32
      %dma_wait3A_140 = tpu.memref_slice %arg5[%arg1, %dma_wait3A_138, %dma_wait3A_139] : memref<16x32x1024xf32, #tpu.memory_space<vmem_shared>> -> memref<1x32x1024xf32, #tpu.memory_space<vmem_shared>>
      %dma_wait3A_141 = tpu.memref_squeeze %dma_wait3A_140 : memref<1x32x1024xf32, #tpu.memory_space<vmem_shared>> -> memref<32x1024xf32, #tpu.memory_space<vmem_shared>>
      tpu.wait_dma2 semaphore(%arg13 : memref<!tpu.dma_semaphore, #tpu.memory_space<semaphore_mem>>) src(%dma_wait3A_141 : memref<32x1024xf32, #tpu.memory_space<vmem_shared>>) dst(%dma_wait3A_137 : memref<32x1024xf32, #tpu.memory_space<hbm>>)
      %add3A_142 = arith.constant 1 : i32
      %add3A_143 = arith.addi %add3A_40, %add3A_142 : i32
      %add3A_144 = arith.constant 4 : i32
      %add3A_145 = arith.addi %add3A_143, %add3A_144 : i32
      %lt3A_146 = arith.constant 8 : i32
      %lt3A_147 = arith.cmpi slt, %add3A_145, %lt3A_146 : i32
      %convert_element_type3A_148 = arith.extui %lt3A_147 : i1 to i32
      %cond3A_149 = arith.constant 0 : i32
      %cond3A_150 = arith.cmpi ne, %convert_element_type3A_148, %cond3A_149 : i32
      scf.if %cond3A_150 {
        %add3A_187 = arith.constant 1 : i32
        %add3A_188 = arith.addi %add3A_40, %add3A_187 : i32
        %add3A_189 = arith.constant 4 : i32
        %add3A_190 = arith.addi %add3A_188, %add3A_189 : i32
        %mul3A_191 = arith.constant 32 : i32
        %mul3A_192 = arith.muli %add3A_190, %mul3A_191 : i32
        %add3A_193 = arith.addi %mul3A_2, %mul3A_192 : i32
        %dma_start3A_194 = arith.constant 0 : i32
        %dma_start3A_195 = arith.constant 0 : i32
        %dma_start3A_196 = tpu.memref_slice %arg5[%arg1, %dma_start3A_194, %dma_start3A_195] : memref<16x32x1024xf32, #tpu.memory_space<vmem_shared>> -> memref<1x32x1024xf32, #tpu.memory_space<vmem_shared>>
        %dma_start3A_197 = tpu.memref_squeeze %dma_start3A_196 : memref<1x32x1024xf32, #tpu.memory_space<vmem_shared>> -> memref<32x1024xf32, #tpu.memory_space<vmem_shared>>
        %dma_start3A_198 = arith.constant 0 : i32
        %dma_start3A_199 = tpu.memref_slice %arg2[%add3A_193, %dma_start3A_198] : memref<8192x1024xf32, #tpu.memory_space<hbm>> -> memref<32x1024xf32, #tpu.memory_space<hbm>>
        tpu.enqueue_dma source(%dma_start3A_199 : memref<32x1024xf32, #tpu.memory_space<hbm>>) target(%dma_start3A_197 : memref<32x1024xf32, #tpu.memory_space<vmem_shared>>) target_semaphore(%arg9 : memref<!tpu.dma_semaphore, #tpu.memory_space<semaphore_mem>>)
      } else {
      }
      %dma_wait3A_151 = arith.constant 0 : i32
      %dma_wait3A_152 = arith.constant 0 : i32
      %dma_wait3A_153 = arith.constant 0 : i32
      %dma_wait3A_154 = tpu.memref_slice %arg3[%dma_wait3A_151, %dma_wait3A_152, %dma_wait3A_153] : memref<1x8192x1024xf32, #tpu.memory_space<hbm>> -> memref<1x32x1024xf32, #tpu.memory_space<hbm>>
      %dma_wait3A_155 = tpu.memref_squeeze %dma_wait3A_154 : memref<1x32x1024xf32, #tpu.memory_space<hbm>> -> memref<32x1024xf32, #tpu.memory_space<hbm>>
      %dma_wait3A_156 = arith.constant 0 : i32
      %dma_wait3A_157 = arith.constant 0 : i32
      %dma_wait3A_158 = tpu.memref_slice %arg6[%arg1, %dma_wait3A_156, %dma_wait3A_157] : memref<16x32x1024xf32, #tpu.memory_space<vmem_shared>> -> memref<1x32x1024xf32, #tpu.memory_space<vmem_shared>>
      %dma_wait3A_159 = tpu.memref_squeeze %dma_wait3A_158 : memref<1x32x1024xf32, #tpu.memory_space<vmem_shared>> -> memref<32x1024xf32, #tpu.memory_space<vmem_shared>>
      tpu.wait_dma2 semaphore(%arg14 : memref<!tpu.dma_semaphore, #tpu.memory_space<semaphore_mem>>) src(%dma_wait3A_159 : memref<32x1024xf32, #tpu.memory_space<vmem_shared>>) dst(%dma_wait3A_155 : memref<32x1024xf32, #tpu.memory_space<hbm>>)
      %add3A_160 = arith.constant 2 : i32
      %add3A_161 = arith.addi %add3A_40, %add3A_160 : i32
      %add3A_162 = arith.constant 4 : i32
      %add3A_163 = arith.addi %add3A_161, %add3A_162 : i32
      %lt3A_164 = arith.constant 8 : i32
      %lt3A_165 = arith.cmpi slt, %add3A_163, %lt3A_164 : i32
      %convert_element_type3A_166 = arith.extui %lt3A_165 : i1 to i32
      %cond3A_167 = arith.constant 0 : i32
      %cond3A_168 = arith.cmpi ne, %convert_element_type3A_166, %cond3A_167 : i32
      scf.if %cond3A_168 {
        %add3A_187 = arith.constant 2 : i32
        %add3A_188 = arith.addi %add3A_40, %add3A_187 : i32
        %add3A_189 = arith.constant 4 : i32
        %add3A_190 = arith.addi %add3A_188, %add3A_189 : i32
        %mul3A_191 = arith.constant 32 : i32
        %mul3A_192 = arith.muli %add3A_190, %mul3A_191 : i32
        %add3A_193 = arith.addi %mul3A_2, %mul3A_192 : i32
        %dma_start3A_194 = arith.constant 0 : i32
        %dma_start3A_195 = arith.constant 0 : i32
        %dma_start3A_196 = tpu.memref_slice %arg6[%arg1, %dma_start3A_194, %dma_start3A_195] : memref<16x32x1024xf32, #tpu.memory_space<vmem_shared>> -> memref<1x32x1024xf32, #tpu.memory_space<vmem_shared>>
        %dma_start3A_197 = tpu.memref_squeeze %dma_start3A_196 : memref<1x32x1024xf32, #tpu.memory_space<vmem_shared>> -> memref<32x1024xf32, #tpu.memory_space<vmem_shared>>
        %dma_start3A_198 = arith.constant 0 : i32
        %dma_start3A_199 = tpu.memref_slice %arg2[%add3A_193, %dma_start3A_198] : memref<8192x1024xf32, #tpu.memory_space<hbm>> -> memref<32x1024xf32, #tpu.memory_space<hbm>>
        tpu.enqueue_dma source(%dma_start3A_199 : memref<32x1024xf32, #tpu.memory_space<hbm>>) target(%dma_start3A_197 : memref<32x1024xf32, #tpu.memory_space<vmem_shared>>) target_semaphore(%arg10 : memref<!tpu.dma_semaphore, #tpu.memory_space<semaphore_mem>>)
      } else {
      }
      %dma_wait3A_169 = arith.constant 0 : i32
      %dma_wait3A_170 = arith.constant 0 : i32
      %dma_wait3A_171 = arith.constant 0 : i32
      %dma_wait3A_172 = tpu.memref_slice %arg3[%dma_wait3A_169, %dma_wait3A_170, %dma_wait3A_171] : memref<1x8192x1024xf32, #tpu.memory_space<hbm>> -> memref<1x32x1024xf32, #tpu.memory_space<hbm>>
      %dma_wait3A_173 = tpu.memref_squeeze %dma_wait3A_172 : memref<1x32x1024xf32, #tpu.memory_space<hbm>> -> memref<32x1024xf32, #tpu.memory_space<hbm>>
      %dma_wait3A_174 = arith.constant 0 : i32
      %dma_wait3A_175 = arith.constant 0 : i32
      %dma_wait3A_176 = tpu.memref_slice %arg7[%arg1, %dma_wait3A_174, %dma_wait3A_175] : memref<16x32x1024xf32, #tpu.memory_space<vmem_shared>> -> memref<1x32x1024xf32, #tpu.memory_space<vmem_shared>>
      %dma_wait3A_177 = tpu.memref_squeeze %dma_wait3A_176 : memref<1x32x1024xf32, #tpu.memory_space<vmem_shared>> -> memref<32x1024xf32, #tpu.memory_space<vmem_shared>>
      tpu.wait_dma2 semaphore(%arg15 : memref<!tpu.dma_semaphore, #tpu.memory_space<semaphore_mem>>) src(%dma_wait3A_177 : memref<32x1024xf32, #tpu.memory_space<vmem_shared>>) dst(%dma_wait3A_173 : memref<32x1024xf32, #tpu.memory_space<hbm>>)
      %add3A_178 = arith.constant 3 : i32
      %add3A_179 = arith.addi %add3A_40, %add3A_178 : i32
      %add3A_180 = arith.constant 4 : i32
      %add3A_181 = arith.addi %add3A_179, %add3A_180 : i32
      %lt3A_182 = arith.constant 8 : i32
      %lt3A_183 = arith.cmpi slt, %add3A_181, %lt3A_182 : i32
      %convert_element_type3A_184 = arith.extui %lt3A_183 : i1 to i32
      %cond3A_185 = arith.constant 0 : i32
      %cond3A_186 = arith.cmpi ne, %convert_element_type3A_184, %cond3A_185 : i32
      scf.if %cond3A_186 {
        %add3A_187 = arith.constant 3 : i32
        %add3A_188 = arith.addi %add3A_40, %add3A_187 : i32
        %add3A_189 = arith.constant 4 : i32
        %add3A_190 = arith.addi %add3A_188, %add3A_189 : i32
        %mul3A_191 = arith.constant 32 : i32
        %mul3A_192 = arith.muli %add3A_190, %mul3A_191 : i32
        %add3A_193 = arith.addi %mul3A_2, %mul3A_192 : i32
        %dma_start3A_194 = arith.constant 0 : i32
        %dma_start3A_195 = arith.constant 0 : i32
        %dma_start3A_196 = tpu.memref_slice %arg7[%arg1, %dma_start3A_194, %dma_start3A_195] : memref<16x32x1024xf32, #tpu.memory_space<vmem_shared>> -> memref<1x32x1024xf32, #tpu.memory_space<vmem_shared>>
        %dma_start3A_197 = tpu.memref_squeeze %dma_start3A_196 : memref<1x32x1024xf32, #tpu.memory_space<vmem_shared>> -> memref<32x1024xf32, #tpu.memory_space<vmem_shared>>
        %dma_start3A_198 = arith.constant 0 : i32
        %dma_start3A_199 = tpu.memref_slice %arg2[%add3A_193, %dma_start3A_198] : memref<8192x1024xf32, #tpu.memory_space<hbm>> -> memref<32x1024xf32, #tpu.memory_space<hbm>>
        tpu.enqueue_dma source(%dma_start3A_199 : memref<32x1024xf32, #tpu.memory_space<hbm>>) target(%dma_start3A_197 : memref<32x1024xf32, #tpu.memory_space<vmem_shared>>) target_semaphore(%arg11 : memref<!tpu.dma_semaphore, #tpu.memory_space<semaphore_mem>>)
      } else {
      }
    }
    %scan3A_35 = arith.constant 2 : i32
    return
  }
}

</mosaic_0001>

<sc_bundles>
// kernel: kernel.3.cloned.1.call-start
scs
__scs_entry_jumppad:
0x0: {  	(pc) =	sbr.rel $0x88, $3  }
0x1: {  	(tag) =	ssettag $0x0;
	lr =	simm.s32 $0x1  }
0x2: {  	[smem:$0x3FA0] =	sst lr;
	_ =	strace $0xD0000000  }
0x3: {  	_ = 	snop  }
0x4: {  	_ = 	snop  }
0x5: {  	_ = 	snop  }
0x6: {  	_ = 	snop  }
0x7: {  	_ = 	snop  }
__scs_overlays_trampoline_lowered:
0x8: {  	[smem:$0x3FAF] =	sst s0  }
0x9: {  	[smem:$0x3FB0] =	sst s1  }
0xa: {  	[smem:$0x3FB1] =	sst s2  }
0xb: {  	[smem:$0x3FB2] =	sst s3  }
0xc: {  	[smem:$0x3FB3] =	sst s4  }
0xd: {  	[smem:$0x3FB4] =	sst s5  }
0xe: {  	[smem:$0x3FB5] =	sst s6  }
0xf: {  	[smem:$0x3FB6] =	sst s7  }
0x10: {  	[smem:$0x3FB7] =	sst s8  }
0x11: {  	[smem:$0x3FB8] =	sst s9;
	s0 =	simm.s32 @!p0 $0x0  }
0x12: {  	s1 =	sld [smem:$0x3F9E];
	s0 =	simm.s32 @p0 $0x1  }
0x13: {  	[smem:$0x3FB9] =	sst s0;
	s0 =	simm.s32 @!p1 $0x0  }
0x14: {  	s2 =	sld [smem:$0x3F9D];
	s0 =	simm.s32 @p1 $0x1  }
0x15: {  	[smem:$0x3FBA] =	sst s0;
	s0 =	simm.s32 @!p2 $0x0  }
0x16: {  	s3 =	sld [smem:$0x3FDB];
	s0 =	simm.s32 @p2 $0x1  }
0x17: {  	s4 =	simm.s32 $0x1BF5;
	[smem:$0x3FBC] =	sst s0  }
0x18: {  	s0 =	sld [smem:$0x3F9F];
	_ =	swait.ge [sflag:s4], $0x0  }
0x19: {  	s7 =	sld [smem:$0x3FA0]  }
0x1a: {  	s8 =	sadd.s32 $0xFFFFE003, lr  }
0x1b: {  	s9 =	sadd.s32 $0xFFFFFEF7, lr;
	s5 =	simm.s32 $0xFFFFFFFF;
	p2 =	slt.u32 s8, $0xFFFFF086  }
0x1c: {  	p1 =	slt.u32 s9, $0xF7A;
	s5 =	simm.s32 @!p2 $0x0  }
0x1d: {  	s5 =	simm.s32 @p1 $0x1;
	p0 =	seq.s32 s7, s2  }
0x1e: {  	s7 =	smul.u32 @!p0 $0xF7A, s2;
	p2 =	seq.s32 @!p0 s5, $0x0  }
0x1f: {  	s9 =	smul.u32 $0xF7A, s1;
	s8 =	simm.s32 @!p0 $0x1BF5;
	p2 =	por !p2, p0  }
0x20: {  	[sflag:s8] =	ssyncset.s32 @!p0 $0xFFFFF086;
	s6 =	sadd.s32 @!p0 s3, s7;
	s7 =	simm.s32 @!p0 $0x108  }
0x21: {  	s3 =	sadd.s32 s3, s9;
	s6 =	sadd.s32 @!p0 $0x88, s6;
	s7 =	simm.s32 @p2 $0x1082  }
0x22: {  	[simem:s7], [sflag:s8] =	dma.local @!p0 [hbm:s6], $0xF7A  }
0x23: {  	s9 =	sor.u32 $0xD0000000, s2;
	s6 =	simm.s32 $0x108;
	_ =	swait.ge @!p0 [sflag:s8], $0x0  }
0x24: {  	s3 =	sadd.s32 $0x88, s3;
	s6 =	simm.s32 @!p1 $0x1082;
	[sflag:s4] =	ssyncset.s32 $0xFFFFF086  }
0x25: {  	[simem:s6], [sflag:s4] =	dma.local [hbm:s3], $0xF7A  }
0x26: {  	[smem:$0x3FA0] =	sst s1;
	(tag) =	ssettag s2;
	_ =	strace s9  }
0x27: {  	s1 =	sld [smem:$0x3FB0]  }
0x28: {  	s2 =	sld [smem:$0x3FB1]  }
0x29: {  	s4 =	sld [smem:$0x3FB3]  }
0x2a: {  	p0 =	seq.s32 s5, $0x0;
	s5 =	sld [smem:$0x3FB4]  }
0x2b: {  	s6 =	sld [smem:$0x3FB5]  }
0x2c: {  	s7 =	sld [smem:$0x3FB6]  }
0x2d: {  	s3 =	simm.s32 $0x108;
	s8 =	sld [smem:$0x3FB7]  }
0x2e: {  	s3 =	simm.s32 @!p0 $0x1082;
	s9 =	sld [smem:$0x3FB8]  }
0x2f: {  	lr =	sadd.s32 s0, s3;
	s0 =	sld [smem:$0x3FAF]  }
0x30: {  	s3 =	sld [smem:$0x3FB2]  }
0x31: {  	[smem:$0x3FBB] =	sst s10  }
0x32: {  	s10 =	sld [smem:$0x3FB9];
	_ =	sdelay $0x3  }
0x33: {  	p0 =	seq.s32 s10, $0x1;
	s10 =	sld [smem:$0x3FBB];
	_ =	sdelay $0x3  }
0x34: {  	[smem:$0x3FBB] =	sst s10  }
0x35: {  	s10 =	sld [smem:$0x3FBA];
	_ =	sdelay $0x3  }
0x36: {  	p1 =	seq.s32 s10, $0x1;
	s10 =	sld [smem:$0x3FBB];
	_ =	sdelay $0x3  }
0x37: {  	[smem:$0x3FBB] =	sst s10  }
0x38: {  	s10 =	sld [smem:$0x3FBC]  }
0x39: {  	_ = 	snop;
	(pc) =	sbr.ind lr, $3  }
0x3a: {  	_ = 	snop  }
0x3b: {  	_ = 	snop  }
0x3c: {  	p2 =	seq.s32 s10, $0x1;
	s10 =	sld [smem:$0x3FBB]  }
0x3d: {  	_ =	shalt  }
0x3e: {  	_ =	shalt  }
0x3f: {  	_ =	shalt  }
0x40: {  	_ =	shalt  }
0x41: {  	_ =	shalt  }
0x42: {  	_ =	shalt  }
0x43: {  	_ =	shalt  }
0x44: {  	_ =	shalt  }
0x45: {  	_ =	shalt  }
0x46: {  	_ =	shalt  }
0x47: {  	_ =	shalt  }
0x48: {  	_ =	shalt  }
0x49: {  	_ =	shalt  }
0x4a: {  	_ =	shalt  }
0x4b: {  	_ =	shalt  }
0x4c: {  	_ =	shalt  }
0x4d: {  	_ =	shalt  }
0x4e: {  	_ =	shalt  }
0x4f: {  	_ =	shalt  }
0x50: {  	_ =	shalt  }
0x51: {  	_ =	shalt  }
0x52: {  	_ =	shalt  }
0x53: {  	_ =	shalt  }
0x54: {  	_ =	shalt  }
0x55: {  	_ =	shalt  }
0x56: {  	_ =	shalt  }
0x57: {  	_ =	shalt  }
0x58: {  	_ =	shalt  }
0x59: {  	_ =	shalt  }
0x5a: {  	_ =	shalt  }
0x5b: {  	_ =	shalt  }
0x5c: {  	_ =	shalt  }
0x5d: {  	_ =	shalt  }
0x5e: {  	_ =	shalt  }
0x5f: {  	_ =	shalt  }
0x60: {  	_ =	shalt  }
0x61: {  	_ =	shalt  }
0x62: {  	_ =	shalt  }
0x63: {  	_ =	shalt  }
0x64: {  	_ =	shalt  }
0x65: {  	_ =	shalt  }
0x66: {  	_ =	shalt  }
0x67: {  	_ =	shalt  }
0x68: {  	_ =	shalt  }
0x69: {  	_ =	shalt  }
0x6a: {  	_ =	shalt  }
0x6b: {  	_ =	shalt  }
0x6c: {  	_ =	shalt  }
0x6d: {  	_ =	shalt  }
0x6e: {  	_ =	shalt  }
0x6f: {  	_ =	shalt  }
0x70: {  	_ =	shalt  }
0x71: {  	_ =	shalt  }
0x72: {  	_ =	shalt  }
0x73: {  	_ =	shalt  }
0x74: {  	_ =	shalt  }
0x75: {  	_ =	shalt  }
0x76: {  	_ =	shalt  }
0x77: {  	_ =	shalt  }
0x78: {  	_ =	shalt  }
0x79: {  	_ =	shalt  }
0x7a: {  	_ =	shalt  }
0x7b: {  	_ =	shalt  }
0x7c: {  	_ =	shalt  }
0x7d: {  	_ =	shalt  }
0x7e: {  	_ =	shalt  }
0x7f: {  	_ =	shalt  }
0x80: {  	_ =	shalt  }
0x81: {  	_ =	shalt  }
0x82: {  	_ =	shalt  }
0x83: {  	_ =	shalt  }
0x84: {  	_ =	shalt  }
0x85: {  	_ =	shalt  }
0x86: {  	_ =	shalt  }
0x87: {  	_ =	shalt  }
.Lfunc_end0:
.L_simem_size_0:
called_computation_lowered:
.L_overlay_start_0:
0x88: {  	s2 =	sld [smem:$0x3FD9]  }
0x89: {  	s3 =	sld [smem:$0x3FFE];
	_ =	sdelay $0x1  }
0x8a: {  	s1 =	srdreg.scid  }
0x8b: {  	s0 =	sand.u32 $0x1, s1  }
0x8c: {  	s18 =	sshll.u32 s0, $0xA;
	s2 =	sadd.s32 s3, s2  }
0x8d: {  	s2 =	sadd.s32 s2, s18  }
0x8e: {  	[smem:$0x3FC7] =	sst s2  }
0x8f: {  	_ = 	snop  }
0x90: {  	s2 =	sld [smem:$0x3FC9]  }
0x91: {  	s19 =	sld [smem:$0x3FD0];
	(tm) =	ssettm $0x1  }
0x92: {  	s4 =	sld [smem:$0x3FFB];
	_ =	sdelay $0x3  }
0x93: {  	_ =	strace s4  }
0x94: {  	s4 =	sld [smem:$0x3FFC];
	_ =	sdelay $0x3  }
0x95: {  	_ =	strace s4  }
0x96: {  	s4 =	sld [smem:$0x3FFD];
	_ =	sdelay $0x3  }
0x97: {  	_ =	strace s4  }
0x98: {  	_ =	strace $0x8FFFFFFF  }
0x99: {  	s20 =	sld [smem:$0x3FDB];
	_ =	sdelay $0x1  }
0x9a: {  	s5 =	simm.s32 $_scs_section_size  }
0x9b: {  	s6 =	simm.s32 $_size__tile_overlayer_lowered;
	s7 =	simm.s32 $_tile_overlayer_lowered  }
0x9c: {  	s23 =	simm.s32 $0x1BFF;
	s22 =	sshll.u32 s7, $0x1;
	s4 =	sadd.s32 s5, s20  }
0x9d: {  	s8 =	simm.s32 $0x0;
	s21 =	sshll.u32 s6, $0x1;
	s6 =	sadd.s32 s22, s4  }
0x9e: {  	[timem:s8], [sflag:s23] =	dma.local [hbm:s6], s21  }
0x9f: {  	_ =	swait.ge [sflag:s23], s21  }
0xa0: {  	s5 =	ssub.s32 $0x0, s21;
	[sflag:s23] =	ssyncset.done $0x0  }
0xa1: {  	[sflag:s23] =	ssyncadd.s32 s5;
	_ =	sdelay $0x1  }
0xa2: {  	s24 =	simm.s32 $0x1B8B  }
0xa3: {  	_ =	swait.ge [sflag:s24], $0x1  }
0xa4: {  	[sflag:s24] =	ssyncset.done $0x0  }
0xa5: {  	s25 =	simm.s32 $0x1B8E;
	[sflag:s24] =	ssyncadd.s32 $0xFFFFFFFF  }
0xa6: {  	s26 =	simm.s32 $execute0_lowered;
	[smem:$0x3FD2] =	sst s25  }
0xa7: {  	s5 =	sshll.u32 s26, $0x1;
	_ =	strace $0x80000046;
	[dreg:$0x1] =	wrdreg $0xFFFFFFFF  }
0xa8: {  	s28 =	simm.s32 $_size_execute0_lowered;
	s4 =	sadd.s32 s4, s5;
	[dreg:$0x0] =	wrdreg $0x0  }
0xa9: {  	s5 =	sshll.u32 s28, $0x1;
	[dreg:$0x2] =	wrdreg s4  }
0xaa: {  	[dreg:$0x3] =	wrdreg s5  }
0xab: {  	[dreg:$0x4] =	wrdreg $0xC0  }
0xac: {  	_ =	task [dreg:s8], $0x5FFFF  }
0xad: {  	[dreg:$0x1] =	wrdreg $0xFFFFFFFF  }
0xae: {  	[dreg:$0x0] =	wrdreg $0x60  }
0xaf: {  	[dreg:$0x2] =	wrdreg s2  }
0xb0: {  	[dreg:$0x3] =	wrdreg s19  }
0xb1: {  	[dreg:$0x4] =	wrdreg $0x80000  }
0xb2: {  	[dreg:$0x5] =	wrdreg $0x100000  }
0xb3: {  	[dreg:$0x6] =	wrdreg $0x180000  }
0xb4: {  	[dreg:$0x7] =	wrdreg $0x9  }
0xb5: {  	_ =	task.clear_ibuf [dreg:s8], $0x8FFFF;
	_ =	strace $0x90000046  }
0xb6: {  	s29 =	simm.s32 $0x9;
	_ =	strace $0x80000048  }
0xb7: {  	_ =	swait.ge [sflag:s29], $0x1  }
0xb8: {  	[sflag:s29] =	ssyncadd.s32 $0xFFFFFFFF  }
0xb9: {  	_ =	strace $0x90000048  }
0xba: {  	_ =	sfence  }
0xbb: {  	s30 =	sld [smem:$0x0];
	_ =	sdelay $0x2  }
0xbc: {  	s31 =	sshll.u32 s1, $0xD;
	s1 =	sshrl.u32 s1, $0x2  }
0xbd: {  	s3 =	sand.u32 $0x4000, s31;
	s1 =	sadd.s32 s1, s30  }
0xbe: {  	s0 =	sor.u32 s3, s0;
	s1 =	sshll.u32 s1, $0x11  }
0xbf: {  	s0 =	sor.u32 s1, s0  }
0xc0: {  	s0 =	sadd.s32 $0x8F2B, s0  }
0xc1: {  	[sflag:s0] =	ssyncadd.remote.s32 $0x1  }
0xc2: {  	_ =	sfence.sel $0xFFFF  }
0xc3: {  	[dreg:$0x0] =	wrdreg $0xFFFFFFFF;
	(pc) =	sbr.abs _section_cstart, $3  }
0xc4: {  	[dreg:$0x1] =	wrdreg $0xFFFFFFFF  }
0xc5: {  	_ =	task.clear_ibuf [dreg:s8], $0x2FFFF;
	_ =	strace $0x9FFFFFFF  }
0xc6: {  	(tm) =	ssettm $0x7FFFFFFF  }
0xc7: {  	_ =	shalt  }
tec
execute0_lowered:
.L_overlay_start_1:
0x0: {  	(tag) =	ssettag $0x1  }
0x1: {  	s0 =	rddreg [dreg:$0x0]  }
0x2: {  	s1 =	rddreg [dreg:$0x1]  }
0x3: {  	s3 =	rddreg [dreg:$0x2]  }
0x4: {  	s4 =	rddreg [dreg:$0x3]  }
0x5: {  	s6 =	rddreg [dreg:$0x4]  }
0x6: {  	s29 =	rddreg [dreg:$0x5];
	s5 =	srdreg.scid;
	s2 =	simm.s32 $0x0  }
0x7: {  	s30 =	stileid.u32;
	s16 =	simm.s32 $0x4;
	s11 =	simm.s32 $0x5  }
0x8: {  	p0 =	por $0x0, $0x0;
	s13 =	simm.s32 $0x6;
	s5 =	sand.u32 $0x1, s5  }
0x9: {  	[smem:$0x7FF] =	sst s2;
	s7 =	sshll.u32 s30, $0x10;
	s18 =	sshll.u32 s30, $0xF  }
0xa: {  	s8 =	sshll.u32 s5, $0xF;
	_ =	strace $0x80000047;
	s5 =	ssub.s32 $0x2, s5  }
0xb: {  	s9 =	sadd.s32 s18, s3;
	s10 =	sadd.s32 s18, s4;
	s7 =	sor.u32 s8, s7  }
0xc: {  	s17 =	sshrl.u32 s5, $0x1;
	s15 =	sshrl.u32 s9, $0x3;
	s10 =	sshrl.u32 s10, $0x3  }
0xd: {  	s9 =	simm.s32 $0x7;
	s23 =	sadd.s32 s0, s7;
	s8 =	ssub.s32 s5, s17  }
0xe: {  	s17 =	sshll.u32 s30, $0x6;
	s0 =	sadd.s32 s18, s6;
	s26 =	sadd.s32 s1, s7  }
0xf: {  	s18 =	simm.s32 $0x3;
	s6 =	simm.s32 $0x8;
	s19 =	sadd.s32 $0x1000, s23  }
0x10: {  	s20 =	sadd.s32 $0x2000, s23;
	s5 =	sor.u32 $0x1C02, s17;
	s21 =	sadd.s32 $0x3000, s23  }
0x11: {  	s22 =	sadd.s32 $0x4000, s23;
	s24 =	sadd.s32 $0x5000, s23;
	s25 =	sadd.s32 $0x6000, s23  }
0x12: {  	s12 =	sadd.s32 $0x7000, s23;
	s31 =	smax.u32 s8, $0x1;
	[dreg:$0x6] =	wrdreg s19  }
0x13: {  	s28 =	sadd.s32 $0x1000, s26;
	s14 =	sadd.s32 $0x4000, s26;
	[dreg:$0x7] =	wrdreg s20  }
0x14: {  	s8 =	sadd.s32 $0x5000, s26;
	[dreg:$0x8] =	wrdreg s21;
	p1 =	sne.s32 s31, $0x1  }
.Ltmp0:
0x15: {  	s4 =	sadd.s32 $0x6000, s26;
	[dreg:$0x9] =	wrdreg s22;
	(pc) =	sbr.rel @!p1 .LBB2_5-.Ltmp0, $4  }
0x16: {  	s3 =	sadd.s32 $0x7000, s26;
	s7 =	sshrl.u32 s0, $0x3;
	[dreg:$0xa] =	wrdreg s24  }
0x17: {  	[dreg:$0xb] =	wrdreg s25;
	s25 =	sadd.s32 $0x2000, s26;
	s24 =	sadd.s32 $0x3000, s26  }
0x18: {  	s22 =	sor.u32 $0x1C03, s17;
	s21 =	sor.u32 $0x1C04, s17;
	s20 =	simm.s32 $0x1  }
0x19: {  	s19 =	simm.s32 $0x2;
	s0 =	sadd.s32 $0xFFFFFFFF, s31;
	s1 =	rddreg [dreg:$0x6]  }
0x1a: {  	[tilespmem:s2], [sflag:$0x1] =	stream.linear.gather [hbm4b:s23+s2], $0x8000, $0x38;
	v63 =	vld [tilespmem:$0x0]  }
0x1b: {  	[spmem:s15], [sflag:s5] =	dma.local [hbm:s1], $0x1000  }
0x1c: {  	s1 =	rddreg [dreg:$0x7]  }
0x1d: {  	[spmem:s10], [sflag:s22] =	dma.local [hbm:s1], $0x1000  }
0x1e: {  	s1 =	rddreg [dreg:$0x8]  }
0x1f: {  	[spmem:s7], [sflag:s21] =	dma.local [hbm:s1], $0x1000  }
0x20: {  	_ =	swait.ge [sflag:s20], $0x8000  }
0x21: {  	[sflag:s20] =	ssyncset.done $0x0  }
0x22: {  	[sflag:s20] =	ssyncadd.s32 $0xFFFF8000  }
0x23: {  	[hbm4b:s26+s2] =	stream.linear.scatter [tilespmem:s2], [sflag:$0x5], $0x8000, $0x38;
	v63 =	vld [tilespmem:$0x0]  }
0x24: {  	_ =	swait.ge [sflag:s19], $0x1000  }
0x25: {  	[sflag:s19] =	ssyncset.done $0x0  }
0x26: {  	s29 =	sor.u32 $0x1C06, s17;
	[sflag:s19] =	ssyncadd.s32 $0xFFFFF000  }
0x27: {  	[hbm:s28], [sflag:s29] =	dma.local [spmem:s15], $0x1000  }
0x28: {  	_ =	swait.ge [sflag:s18], $0x1000  }
0x29: {  	[sflag:s18] =	ssyncset.done $0x0  }
0x2a: {  	s30 =	sor.u32 $0x1C07, s17;
	[sflag:s18] =	ssyncadd.s32 $0xFFFFF000  }
0x2b: {  	[hbm:s25], [sflag:s30] =	dma.local [spmem:s10], $0x1000  }
0x2c: {  	_ =	swait.ge [sflag:s16], $0x1000  }
0x2d: {  	[sflag:s16] =	ssyncset.done $0x0  }
0x2e: {  	s31 =	sor.u32 $0x1C08, s17;
	[sflag:s16] =	ssyncadd.s32 $0xFFFFF000  }
0x2f: {  	[hbm:s24], [sflag:s31] =	dma.local [spmem:s7], $0x1000  }
0x30: {  	_ =	swait.ge [sflag:s11], $0x8000  }
0x31: {  	[sflag:s11] =	ssyncset.done $0x0  }
0x32: {  	s1 =	rddreg [dreg:$0x9];
	[sflag:s11] =	ssyncadd.s32 $0xFFFF8000  }
0x33: {  	[tilespmem:s2], [sflag:$0x1] =	stream.linear.gather [hbm4b:s1+s2], $0x8000, $0x38;
	v63 =	vld [tilespmem:$0x0]  }
0x34: {  	_ =	swait.ge [sflag:s13], $0x1000  }
0x35: {  	[sflag:s13] =	ssyncset.done $0x0  }
0x36: {  	s1 =	rddreg [dreg:$0xa];
	[sflag:s13] =	ssyncadd.s32 $0xFFFFF000  }
0x37: {  	[spmem:s15], [sflag:s5] =	dma.local [hbm:s1], $0x1000  }
0x38: {  	_ =	swait.ge [sflag:s9], $0x1000  }
0x39: {  	[sflag:s9] =	ssyncset.done $0x0  }
0x3a: {  	s1 =	rddreg [dreg:$0xb];
	[sflag:s9] =	ssyncadd.s32 $0xFFFFF000  }
0x3b: {  	[spmem:s10], [sflag:s22] =	dma.local [hbm:s1], $0x1000  }
0x3c: {  	_ =	swait.ge [sflag:s6], $0x1000  }
0x3d: {  	[sflag:s6] =	ssyncset.done $0x0  }
0x3e: {  	[sflag:s6] =	ssyncadd.s32 $0xFFFFF000  }
0x3f: {  	[spmem:s7], [sflag:s21] =	dma.local [hbm:s12], $0x1000  }
0x40: {  	_ =	swait.ge [sflag:s20], $0x8000  }
0x41: {  	[sflag:s20] =	ssyncset.done $0x0  }
0x42: {  	[sflag:s20] =	ssyncadd.s32 $0xFFFF8000  }
0x43: {  	[hbm4b:s14+s2] =	stream.linear.scatter [tilespmem:s2], [sflag:$0x5], $0x8000, $0x38;
	v63 =	vld [tilespmem:$0x0]  }
0x44: {  	_ =	swait.ge [sflag:s19], $0x1000  }
0x45: {  	[sflag:s19] =	ssyncset.done $0x0  }
0x46: {  	[sflag:s19] =	ssyncadd.s32 $0xFFFFF000  }
0x47: {  	[hbm:s8], [sflag:s29] =	dma.local [spmem:s15], $0x1000  }
0x48: {  	_ =	swait.ge [sflag:s18], $0x1000  }
0x49: {  	[sflag:s18] =	ssyncset.done $0x0  }
0x4a: {  	[sflag:s18] =	ssyncadd.s32 $0xFFFFF000  }
0x4b: {  	[hbm:s4], [sflag:s30] =	dma.local [spmem:s10], $0x1000  }
0x4c: {  	_ =	swait.ge [sflag:s16], $0x1000  }
0x4d: {  	[sflag:s16] =	ssyncset.done $0x0  }
0x4e: {  	[sflag:s16] =	ssyncadd.s32 $0xFFFFF000  }
0x4f: {  	[hbm:s3], [sflag:s31] =	dma.local [spmem:s7], $0x1000  }
0x50: {  	_ =	swait.ge [sflag:s11], $0x8000  }
0x51: {  	[sflag:s11] =	ssyncset.done $0x0  }
0x52: {  	[sflag:s11] =	ssyncadd.s32 $0xFFFF8000  }
0x53: {  	_ =	swait.ge [sflag:s13], $0x1000  }
0x54: {  	[sflag:s13] =	ssyncset.done $0x0  }
0x55: {  	p1 =	sne.s32 s0, $0x1;
	[sflag:s13] =	ssyncadd.s32 $0xFFFFF000  }
.Ltmp1:
0x56: {  	_ =	swait.ge [sflag:s9], $0x1000;
	(pc) =	sbr.rel @!p1 .LBB2_2-.Ltmp1, $4  }
0x57: {  	[sflag:s9] =	ssyncset.done $0x0  }
0x58: {  	[sflag:s9] =	ssyncadd.s32 $0xFFFFF000  }
0x59: {  	s0 =	sadd.s32 $0xFFFFFFFF, s0;
	_ =	swait.ge [sflag:s6], $0x1000  }
0x5a: {  	p0 =	por $0x1, $0x1;
	s1 =	rddreg [dreg:$0x6];
	[sflag:s6] =	ssyncset.done $0x0  }
.LBB2_3:
0x5b: {  	[sflag:s6] =	ssyncadd.s32 $0xFFFFF000  }
0x5c: {  	[tilespmem:s2], [sflag:$0x1] =	stream.linear.gather [hbm4b:s23+s2], $0x8000, $0x38;
	v63 =	vld [tilespmem:$0x0]  }
0x5d: {  	[spmem:s15], [sflag:s5] =	dma.local [hbm:s1], $0x1000  }
0x5e: {  	s1 =	rddreg [dreg:$0x7]  }
0x5f: {  	[spmem:s10], [sflag:s22] =	dma.local [hbm:s1], $0x1000  }
0x60: {  	s1 =	rddreg [dreg:$0x8]  }
0x61: {  	[spmem:s7], [sflag:s21] =	dma.local [hbm:s1], $0x1000  }
0x62: {  	_ =	swait.ge [sflag:s20], $0x8000  }
0x63: {  	[sflag:s20] =	ssyncset.done $0x0  }
0x64: {  	[sflag:s20] =	ssyncadd.s32 $0xFFFF8000  }
0x65: {  	[hbm4b:s26+s2] =	stream.linear.scatter [tilespmem:s2], [sflag:$0x5], $0x8000, $0x38;
	v63 =	vld [tilespmem:$0x0]  }
0x66: {  	_ =	swait.ge [sflag:s19], $0x1000  }
0x67: {  	[sflag:s19] =	ssyncset.done $0x0  }
0x68: {  	[sflag:s19] =	ssyncadd.s32 $0xFFFFF000  }
0x69: {  	[hbm:s28], [sflag:s29] =	dma.local [spmem:s15], $0x1000  }
0x6a: {  	_ =	swait.ge [sflag:s18], $0x1000  }
0x6b: {  	[sflag:s18] =	ssyncset.done $0x0  }
0x6c: {  	[sflag:s18] =	ssyncadd.s32 $0xFFFFF000  }
0x6d: {  	[hbm:s25], [sflag:s30] =	dma.local [spmem:s10], $0x1000  }
0x6e: {  	_ =	swait.ge [sflag:s16], $0x1000  }
0x6f: {  	[sflag:s16] =	ssyncset.done $0x0  }
0x70: {  	[sflag:s16] =	ssyncadd.s32 $0xFFFFF000  }
0x71: {  	[hbm:s24], [sflag:s31] =	dma.local [spmem:s7], $0x1000  }
0x72: {  	_ =	swait.ge [sflag:s11], $0x8000  }
0x73: {  	[sflag:s11] =	ssyncset.done $0x0  }
0x74: {  	s1 =	rddreg [dreg:$0x9];
	[sflag:s11] =	ssyncadd.s32 $0xFFFF8000  }
0x75: {  	[tilespmem:s2], [sflag:$0x1] =	stream.linear.gather [hbm4b:s1+s2], $0x8000, $0x38;
	v63 =	vld [tilespmem:$0x0]  }
0x76: {  	_ =	swait.ge [sflag:s13], $0x1000  }
0x77: {  	[sflag:s13] =	ssyncset.done $0x0  }
0x78: {  	s1 =	rddreg [dreg:$0xa];
	[sflag:s13] =	ssyncadd.s32 $0xFFFFF000  }
0x79: {  	[spmem:s15], [sflag:s5] =	dma.local [hbm:s1], $0x1000  }
0x7a: {  	_ =	swait.ge [sflag:s9], $0x1000  }
0x7b: {  	[sflag:s9] =	ssyncset.done $0x0  }
0x7c: {  	s1 =	rddreg [dreg:$0xb];
	[sflag:s9] =	ssyncadd.s32 $0xFFFFF000  }
0x7d: {  	[spmem:s10], [sflag:s22] =	dma.local [hbm:s1], $0x1000  }
0x7e: {  	_ =	swait.ge [sflag:s6], $0x1000  }
0x7f: {  	[sflag:s6] =	ssyncset.done $0x0  }
0x80: {  	[sflag:s6] =	ssyncadd.s32 $0xFFFFF000  }
0x81: {  	[spmem:s7], [sflag:s21] =	dma.local [hbm:s12], $0x1000  }
0x82: {  	_ =	swait.ge [sflag:s20], $0x8000  }
0x83: {  	[sflag:s20] =	ssyncset.done $0x0  }
0x84: {  	[sflag:s20] =	ssyncadd.s32 $0xFFFF8000  }
0x85: {  	[hbm4b:s14+s2] =	stream.linear.scatter [tilespmem:s2], [sflag:$0x5], $0x8000, $0x38;
	v63 =	vld [tilespmem:$0x0]  }
0x86: {  	_ =	swait.ge [sflag:s19], $0x1000  }
0x87: {  	[sflag:s19] =	ssyncset.done $0x0  }
0x88: {  	[sflag:s19] =	ssyncadd.s32 $0xFFFFF000  }
0x89: {  	[hbm:s8], [sflag:s29] =	dma.local [spmem:s15], $0x1000  }
0x8a: {  	_ =	swait.ge [sflag:s18], $0x1000  }
0x8b: {  	[sflag:s18] =	ssyncset.done $0x0  }
0x8c: {  	[sflag:s18] =	ssyncadd.s32 $0xFFFFF000  }
0x8d: {  	[hbm:s4], [sflag:s30] =	dma.local [spmem:s10], $0x1000  }
0x8e: {  	_ =	swait.ge [sflag:s16], $0x1000  }
0x8f: {  	[sflag:s16] =	ssyncset.done $0x0  }
0x90: {  	[sflag:s16] =	ssyncadd.s32 $0xFFFFF000  }
0x91: {  	[hbm:s3], [sflag:s31] =	dma.local [spmem:s7], $0x1000  }
0x92: {  	_ =	swait.ge [sflag:s11], $0x8000  }
0x93: {  	[sflag:s11] =	ssyncset.done $0x0  }
0x94: {  	[sflag:s11] =	ssyncadd.s32 $0xFFFF8000  }
0x95: {  	_ =	swait.ge [sflag:s13], $0x1000  }
0x96: {  	[sflag:s13] =	ssyncset.done $0x0  }
0x97: {  	p1 =	sne.s32 s0, $0x1;
	[sflag:s13] =	ssyncadd.s32 $0xFFFFF000  }
.Ltmp2:
0x98: {  	_ =	swait.ge [sflag:s9], $0x1000;
	(pc) =	sbr.rel @p1 .LBB2_3-.Ltmp2, $4  }
0x99: {  	[sflag:s9] =	ssyncset.done $0x0  }
0x9a: {  	[sflag:s9] =	ssyncadd.s32 $0xFFFFF000  }
0x9b: {  	_ =	swait.ge [sflag:s6], $0x1000  }
0x9c: {  	s0 =	sadd.s32 $0xFFFFFFFF, s0;
	s1 =	rddreg [dreg:$0x6];
	[sflag:s6] =	ssyncset.done $0x0  }
0x9d: {  	s29 =	rddreg [dreg:$0x5];
	s30 =	stileid.u32  }
.LBB2_5:
0x9e: {  	[sflag:s6] =	ssyncadd.s32 @p0 $0xFFFFF000  }
0x9f: {  	[tilespmem:s2], [sflag:$0x1] =	stream.linear.gather [hbm4b:s23+s2], $0x8000, $0x38;
	v63 =	vld [tilespmem:$0x0]  }
0xa0: {  	[spmem:s15], [sflag:s5] =	dma.local [hbm:s1], $0x1000  }
0xa1: {  	s0 =	rddreg [dreg:$0x7]  }
0xa2: {  	[spmem:s10], [sflag:s22] =	dma.local [hbm:s0], $0x1000  }
0xa3: {  	s0 =	rddreg [dreg:$0x8]  }
0xa4: {  	[spmem:s7], [sflag:s21] =	dma.local [hbm:s0], $0x1000  }
0xa5: {  	_ =	swait.ge [sflag:s20], $0x8000  }
0xa6: {  	[sflag:s20] =	ssyncset.done $0x0  }
0xa7: {  	[sflag:s20] =	ssyncadd.s32 $0xFFFF8000  }
0xa8: {  	[hbm4b:s26+s2] =	stream.linear.scatter [tilespmem:s2], [sflag:$0x5], $0x8000, $0x38;
	v63 =	vld [tilespmem:$0x0]  }
0xa9: {  	_ =	swait.ge [sflag:s19], $0x1000  }
0xaa: {  	[sflag:s19] =	ssyncset.done $0x0  }
0xab: {  	s0 =	sor.u32 $0x1C06, s17;
	[sflag:s19] =	ssyncadd.s32 $0xFFFFF000  }
0xac: {  	[hbm:s28], [sflag:s0] =	dma.local [spmem:s15], $0x1000  }
0xad: {  	_ =	swait.ge [sflag:s18], $0x1000  }
0xae: {  	[sflag:s18] =	ssyncset.done $0x0  }
0xaf: {  	s1 =	sor.u32 $0x1C07, s17;
	[sflag:s18] =	ssyncadd.s32 $0xFFFFF000  }
0xb0: {  	[hbm:s25], [sflag:s1] =	dma.local [spmem:s10], $0x1000  }
0xb1: {  	_ =	swait.ge [sflag:s16], $0x1000  }
0xb2: {  	[sflag:s16] =	ssyncset.done $0x0  }
0xb3: {  	s25 =	sor.u32 $0x1C08, s17;
	[sflag:s16] =	ssyncadd.s32 $0xFFFFF000  }
0xb4: {  	[hbm:s24], [sflag:s25] =	dma.local [spmem:s7], $0x1000  }
0xb5: {  	_ =	swait.ge [sflag:s11], $0x8000  }
0xb6: {  	[sflag:s11] =	ssyncset.done $0x0  }
0xb7: {  	s26 =	rddreg [dreg:$0x9];
	[sflag:s11] =	ssyncadd.s32 $0xFFFF8000  }
0xb8: {  	[tilespmem:s2], [sflag:$0x1] =	stream.linear.gather [hbm4b:s26+s2], $0x8000, $0x38;
	v63 =	vld [tilespmem:$0x0]  }
0xb9: {  	_ =	swait.ge [sflag:s13], $0x1000  }
0xba: {  	[sflag:s13] =	ssyncset.done $0x0  }
0xbb: {  	s28 =	rddreg [dreg:$0xa];
	[sflag:s13] =	ssyncadd.s32 $0xFFFFF000  }
0xbc: {  	[spmem:s15], [sflag:s5] =	dma.local [hbm:s28], $0x1000  }
0xbd: {  	_ =	swait.ge [sflag:s9], $0x1000  }
0xbe: {  	[sflag:s9] =	ssyncset.done $0x0  }
0xbf: {  	s31 =	rddreg [dreg:$0xb];
	[sflag:s9] =	ssyncadd.s32 $0xFFFFF000  }
0xc0: {  	[spmem:s10], [sflag:s22] =	dma.local [hbm:s31], $0x1000  }
0xc1: {  	_ =	swait.ge [sflag:s6], $0x1000  }
0xc2: {  	[sflag:s6] =	ssyncset.done $0x0  }
0xc3: {  	[sflag:s6] =	ssyncadd.s32 $0xFFFFF000  }
0xc4: {  	[spmem:s7], [sflag:s21] =	dma.local [hbm:s12], $0x1000  }
0xc5: {  	_ =	swait.ge [sflag:s20], $0x8000  }
0xc6: {  	[sflag:s20] =	ssyncset.done $0x0  }
0xc7: {  	[sflag:s20] =	ssyncadd.s32 $0xFFFF8000  }
0xc8: {  	[hbm4b:s14+s2] =	stream.linear.scatter [tilespmem:s2], [sflag:$0x5], $0x8000, $0x38;
	v63 =	vld [tilespmem:$0x0]  }
0xc9: {  	_ =	swait.ge [sflag:s19], $0x1000  }
0xca: {  	[sflag:s19] =	ssyncset.done $0x0  }
0xcb: {  	[sflag:s19] =	ssyncadd.s32 $0xFFFFF000  }
0xcc: {  	[hbm:s8], [sflag:s0] =	dma.local [spmem:s15], $0x1000  }
0xcd: {  	_ =	swait.ge [sflag:s18], $0x1000  }
0xce: {  	[sflag:s18] =	ssyncset.done $0x0  }
0xcf: {  	[sflag:s18] =	ssyncadd.s32 $0xFFFFF000  }
0xd0: {  	[hbm:s4], [sflag:s1] =	dma.local [spmem:s10], $0x1000  }
0xd1: {  	_ =	swait.ge [sflag:s16], $0x1000  }
0xd2: {  	[sflag:s16] =	ssyncset.done $0x0  }
0xd3: {  	[sflag:s16] =	ssyncadd.s32 $0xFFFFF000  }
0xd4: {  	[hbm:s3], [sflag:s25] =	dma.local [spmem:s7], $0x1000  }
0xd5: {  	_ =	swait.ge [sflag:s11], $0x8000  }
0xd6: {  	[sflag:s11] =	ssyncset.done $0x0  }
0xd7: {  	[sflag:s11] =	ssyncadd.s32 $0xFFFF8000  }
0xd8: {  	_ =	swait.ge [sflag:s13], $0x1000  }
0xd9: {  	[sflag:s13] =	ssyncset.done $0x0  }
0xda: {  	[sflag:s13] =	ssyncadd.s32 $0xFFFFF000  }
0xdb: {  	_ =	swait.ge [sflag:s9], $0x1000  }
0xdc: {  	[sflag:s9] =	ssyncset.done $0x0  }
0xdd: {  	[sflag:s9] =	ssyncadd.s32 $0xFFFFF000  }
0xde: {  	_ =	swait.ge [sflag:s6], $0x1000  }
0xdf: {  	[sflag:s6] =	ssyncset.done $0x0  }
0xe0: {  	[sflag:s6] =	ssyncadd.s32 $0xFFFFF000  }
0xe1: {  	_ =	sfence.sel $0x180000  }
0xe2: {  	[bflag:$0x0] =	sbarrier.arrive $0xFFFF  }
0xe3: {  	p0 =	sne.s32 s30, $0x0;
	_ =	strace $0x90000047  }
0xe4: {  	s0 =	sadd.s32 @!p0 $0x100000, s29;
	[bflag:$0x2] =	sbarrier.arrive $0xFFFF  }
0xe5: {  	[sflag:s0] =	ssyncadd.tile.s32 @!p0 $0x1;
	_ =	shalt  }
.LBB2_2:
.Ltmp3:
0xe6: {  	(pc) =	sbr.rel .LBB2_5-.Ltmp3, $2  }
0xe7: {  	_ =	sdelay $0x2  }
0xe8: {  	s29 =	rddreg [dreg:$0x5];
	s30 =	stileid.u32  }
.Lfunc_end2:
_tile_overlayer_lowered:
.L_overlay_start_2:
0xe9: {  	(tag) =	ssettag $0x2  }
0xea: {  	s0 =	rddreg [dreg:$0x0];
	s2 =	stileid.u32  }
0xeb: {  	s1 =	rddreg [dreg:$0x1];
	p0 =	sne.s32 s2, $0x0  }
0xec: {  	s3 =	rddreg [dreg:$0x2];
	[bflag:$0x3] =	sbarrier.arrive $0xFFFF;
	s2 =	simm.s32 @!p0 $0x1C09  }
0xed: {  	[timem:s3], [sflag:s2] =	dma.local @!p0 [hbm:s0], s1  }
0xee: {  	s0 =	simm.s32 @!p0 $0x9  }
0xef: {  	_ =	swait.ge @!p0 [sflag:s0], s1  }
0xf0: {  	s1 =	ssub.s32 @!p0 $0x0, s1;
	[sflag:s0] =	ssyncset.done @!p0 $0x0  }
0xf1: {  	[sflag:s0] =	ssyncadd.s32 @!p0 s1  }
0xf2: {  	[bflag:$0x3] =	sbarrier.arrive $0xFFFF  }
0xf3: {  	_ =	shalt  }

</sc_bundles>
